<compile_context>
chip_gen: v7x
topology: tpu7x:2x2x1
jax: 0.10.2.dev20260603
libtpu: 0.0.44.dev20260713+nightly
codegen_flags: <defaults>
</compile_context>

<pallas_src>
import functools

import jax
import jax.numpy as jnp
from jax import lax
from jax.experimental import pallas as pl
from jax.experimental.pallas import tpu as pltpu
from jax.experimental.pallas import tpu_sc as plsc

NC = 2
NS = 16
NW = NC * NS

K = 80


def _deg_reduce_block(c_ref, dp_ref, inv_ref):
    inv_ref[...] = 1.0 / (c_ref[0] + jnp.sum(dp_ref[...], axis=0))


def _finalize_block(c_ref, x_ref, p0_ref, p1_ref, inv_ref, o_ref):
    c = c_ref[0]
    num = c * x_ref[...] + p0_ref[...] + p1_ref[...]
    o_ref[...] = num * inv_ref[...]


def kernel(x, edge_index, lambda_):
    n, d = x.shape
    e = edge_index.shape[1]
    e_per_w = e // NW
    chunks = e_per_w // K

    nblk = 5
    cb = chunks // nblk
    rows = edge_index[0].reshape(NW, nblk, cb, K)
    cols = edge_index[1].reshape(NW, nblk, cb, K)
    zeros2d = jnp.zeros((n, d), jnp.float32)
    zeros1n = jnp.zeros((n,), jnp.float32)

    rpt = (n // NS) // 8 * 8
    tail_start = rpt * NS
    tail = n - tail_start
    mesh = plsc.VectorSubcoreMesh(
        core_axis_name="c", subcore_axis_name="s", num_cores=NC, num_subcores=NS
    )

    @functools.partial(
        pl.kernel,
        out_type=(jax.ShapeDtypeStruct((NC, n, d), jnp.float32),
                  jax.ShapeDtypeStruct((NW, 1, n), jnp.float32)),
        mesh=mesh,
        compiler_params=pltpu.CompilerParams(needs_layout_passes=False),
        scratch_types=dict(
            rows_v=pltpu.VMEM((cb, K), jnp.int32),
            cols_v=pltpu.VMEM((cb, K), jnp.int32),
            deg_v=pltpu.VMEM((n,), jnp.float32),
            gbuf0=pltpu.VMEM((K, d), jnp.float32),
            gbuf1=pltpu.VMEM((K, d), jnp.float32),
            acc_sh=pltpu.VMEM_SHARED((n, d), jnp.float32),
            gsem0=pltpu.SemaphoreType.DMA,
            gsem1=pltpu.SemaphoreType.DMA,
            ssem0=pltpu.SemaphoreType.DMA,
            ssem1=pltpu.SemaphoreType.DMA,
        ),
    )
    def sc_acc_kernel(x_hbm, rows_hbm, cols_hbm, z2_hbm, z1_hbm, acc_out,
                      degp_out, rows_v, cols_v, deg_v, gbuf0, gbuf1, acc_sh,
                      gsem0, gsem1, ssem0, ssem1):
        groups = K // 16
        cid = lax.axis_index("c")
        sid = lax.axis_index("s")
        wid = cid * NS + sid

        pltpu.sync_copy(z2_hbm.at[pl.ds(sid * rpt, rpt)],
                        acc_sh.at[pl.ds(sid * rpt, rpt)])

        @pl.when(sid == NS - 1)
        def _zero_tail():
            pltpu.sync_copy(z2_hbm.at[pl.ds(tail_start, tail)],
                            acc_sh.at[pl.ds(tail_start, tail)])

        pltpu.sync_copy(z1_hbm, deg_v)
        ones16 = jnp.full((16,), 1.0, jnp.float32)
        plsc.subcore_barrier()

        def blk_body(b, carry):
            pltpu.sync_copy(rows_hbm.at[wid, b], rows_v)
            pltpu.sync_copy(cols_hbm.at[wid, b], cols_v)
            pltpu.async_copy(x_hbm.at[cols_v.at[0]], gbuf0, gsem0)

            def body(j, carry2):
                def step(cur, gsem_cur, ssem_cur, nxt, gsem_nxt, ssem_nxt):
                    pltpu.make_async_copy(
                        x_hbm.at[cols_v.at[j]], cur, gsem_cur).wait()
                    pltpu.async_copy(
                        cur, acc_sh.at[rows_v.at[j]], ssem_cur, add=True)

                    @pl.when(j >= 1)
                    def _drain_prev():
                        pltpu.make_async_copy(
                            nxt, acc_sh.at[rows_v.at[j - 1]], ssem_nxt).wait()

                    @pl.when(j + 1 < cb)
                    def _next():
                        pltpu.async_copy(
                            x_hbm.at[cols_v.at[j + 1]], nxt, gsem_nxt)

                def dbody(t, carry3):
                    iv = rows_v[j, pl.ds(t * 16, 16)]
                    plsc.addupdate_scatter(deg_v, [iv], ones16)
                    return carry3

                lax.fori_loop(0, groups, dbody, 0)

                even = j % 2 == 0

                @pl.when(even)
                def _even():
                    step(gbuf0, gsem0, ssem0, gbuf1, gsem1, ssem1)

                @pl.when(jnp.logical_not(even))
                def _odd():
                    step(gbuf1, gsem1, ssem1, gbuf0, gsem0, ssem0)

                return carry2

            lax.fori_loop(0, cb, body, 0)
            last = cb - 1
            if last % 2 == 0:
                pltpu.make_async_copy(
                    gbuf0, acc_sh.at[rows_v.at[last]], ssem0).wait()
            else:
                pltpu.make_async_copy(
                    gbuf1, acc_sh.at[rows_v.at[last]], ssem1).wait()
            return carry

        lax.fori_loop(0, nblk, blk_body, 0)
        plsc.subcore_barrier()

        pltpu.sync_copy(acc_sh.at[pl.ds(sid * rpt, rpt)],
                        acc_out.at[cid, pl.ds(sid * rpt, rpt)])

        @pl.when(sid == NS - 1)
        def _write_tail():
            pltpu.sync_copy(acc_sh.at[pl.ds(tail_start, tail)],
                            acc_out.at[cid, pl.ds(tail_start, tail)])

        pltpu.sync_copy(deg_v, degp_out.at[wid, 0])

    acc, degp = sc_acc_kernel(x, rows, cols, zeros2d, zeros1n)
    degp = degp.reshape(NW, n)

    c = jax.nn.relu(lambda_).astype(jnp.float32).reshape(1)
    inv = pl.pallas_call(
        _deg_reduce_block,
        in_specs=[pl.BlockSpec(memory_space=pltpu.SMEM), pl.BlockSpec((NW, n))],
        out_specs=pl.BlockSpec((n,)),
        out_shape=jax.ShapeDtypeStruct((n,), jnp.float32),
    )(c, degp)
    inv2d = inv.reshape(n, 1)

    blk = 2000
    grid = n // blk
    out = pl.pallas_call(
        _finalize_block,
        grid=(grid,),
        in_specs=[
            pl.BlockSpec(memory_space=pltpu.SMEM),
            pl.BlockSpec((blk, d), lambda i: (i, 0)),
            pl.BlockSpec((blk, d), lambda i: (i, 0)),
            pl.BlockSpec((blk, d), lambda i: (i, 0)),
            pl.BlockSpec((blk, 1), lambda i: (i, 0)),
        ],
        out_specs=pl.BlockSpec((blk, d), lambda i: (i, 0)),
        out_shape=jax.ShapeDtypeStruct((n, d), jnp.float32),
    )(c, x, acc[0], acc[1], inv2d)
    return out

# --- scband reference (transcript-rebuilt; emitter-appended) ---
"""Pipeline reference for scband-akconv-601295422149 (READ-ONLY COPY).

The authoritative reference and input builder live on the scoring server;
editing this copy changes nothing except your own understanding.
"""

import jax, jax.numpy as jnp
import numpy as np

N_NODES = 10000
N_EDGES = 320000
D_FEAT = 128


def setup_inputs(seed: int = 0) -> dict:
    key = jax.random.key(seed)
    k1, k2 = jax.random.split(key)
    x = jax.random.normal(k1, (N_NODES, D_FEAT), dtype=jnp.float32)
    edge_index = jax.random.randint(k2, (2, N_EDGES), 0, N_NODES, dtype=jnp.int32)
    # learned scalar parameter lambda_ (initialized to 1.0 as in the torch module)
    lambda_ = jnp.array(1.0, dtype=jnp.float32)
    return {"x": x, "edge_index": edge_index, "lambda_": lambda_}


def reference(x, edge_index, lambda_):
    # AKConv forward: A = diag((2*lam-2)/lam) + (2/lam) * adj  (sparse COO),
    # out = (A @ x) / (A @ ones(N,1))
    N = x.shape[0]
    E = edge_index.shape[1]
    lam = 1.0 + jax.nn.relu(lambda_)
    diag_idx = jnp.arange(N, dtype=edge_index.dtype)
    rows = jnp.concatenate([diag_idx, edge_index[0]])
    cols = jnp.concatenate([diag_idx, edge_index[1]])
    v1 = ((2.0 * lam - 2.0) / lam) * jnp.ones((N,), dtype=jnp.float32)
    v2 = (2.0 / lam) * jnp.ones((E,), dtype=jnp.float32)
    v = jnp.concatenate([v1, v2])
    # e_rowsum = special_spmm(i, v, [N,N], ones(N,1)) : gather of ones is just v
    e_rowsum = jax.ops.segment_sum(v, rows, num_segments=N)
    # out = special_spmm(i, v, [N,N], x) : scatter-add of v * x[cols]
    gathered = jnp.take(x, cols, axis=0)
    out = jax.ops.segment_sum(v[:, None] * gathered, rows, num_segments=N)
    return out / e_rowsum[:, None]

if __name__ == "__main__":
    import jax
    _d = setup_inputs()
    print(jax.jit(kernel)(*tuple(_d.values())))

</pallas_src>

<mosaic_0001>
#map = affine_map<(d0, d1) -> (0, 0)>
#map1 = affine_map<(d0, d1) -> (0, 0, 0, 0)>
#map2 = affine_map<(d0, d1) -> (0)>
#map3 = affine_map<(d0, d1) -> (0, 0, 0)>
module attributes {stable_mosaic.version = 14 : i64} {
  func.func @sc_acc_kernel(%arg0: i32, %arg1: i32, %arg2: memref<10000x128xf32, #tpu.memory_space<hbm>>, %arg3: memref<32x5x25x80xi32, #tpu.memory_space<hbm>>, %arg4: memref<32x5x25x80xi32, #tpu.memory_space<hbm>>, %arg5: memref<10000x128xf32, #tpu.memory_space<hbm>>, %arg6: memref<10000xf32, #tpu.memory_space<hbm>>, %arg7: memref<2x10000x128xf32, #tpu.memory_space<hbm>>, %arg8: memref<32x1x10000xf32, #tpu.memory_space<hbm>>, %arg9: memref<10000x128xf32, #tpu.memory_space<vmem_shared>>, %arg10: memref<25x80xi32, #tpu.memory_space<vmem>>, %arg11: memref<10000xf32, #tpu.memory_space<vmem>>, %arg12: memref<80x128xf32, #tpu.memory_space<vmem>>, %arg13: memref<80x128xf32, #tpu.memory_space<vmem>>, %arg14: memref<!tpu.dma_semaphore, #tpu.memory_space<semaphore_mem>>, %arg15: memref<!tpu.dma_semaphore, #tpu.memory_space<semaphore_mem>>, %arg16: memref<25x80xi32, #tpu.memory_space<vmem>>, %arg17: memref<!tpu.dma_semaphore, #tpu.memory_space<semaphore_mem>>, %arg18: memref<!tpu.dma_semaphore, #tpu.memory_space<semaphore_mem>>) attributes {dimension_semantics = [#tpu.dimension_semantics<core_parallel>, #tpu.dimension_semantics<subcore_parallel>], iteration_bounds = array<i64: 2, 16>, scalar_prefetch = 0 : i64, scratch_operands = 10 : i64, tpu.core_type = #tpu.core_type<sc_vector_subcore>, window_params = [{transform_indices = #map}, {transform_indices = #map1}, {transform_indices = #map1}, {transform_indices = #map}, {transform_indices = #map2}, {transform_indices = #map3}, {transform_indices = #map3}]} {
    %mul3A = arith.constant 16 : i32
    %mul3A_0 = arith.muli %arg0, %mul3A : i32
    %add3A = arith.addi %mul3A_0, %arg1 : i32
    %mul3A_1 = arith.constant 624 : i32
    %mul3A_2 = arith.muli %arg1, %mul3A_1 : i32
    %mul3A_3 = arith.constant 624 : i32
    %mul3A_4 = arith.muli %arg1, %mul3A_3 : i32
    "tpu.region"() ({
      %run_scoped3A_23 = tpu.sem_alloc : memref<!tpu.dma_semaphore, #tpu.memory_space<semaphore_mem>>
      %dma_start3A = arith.constant 0 : i32
      %dma_start3A_24 = tpu.memref_slice %arg9[%mul3A_4, %dma_start3A] : memref<10000x128xf32, #tpu.memory_space<vmem_shared>> -> memref<624x128xf32, #tpu.memory_space<vmem_shared>>
      %dma_start3A_25 = arith.constant 0 : i32
      %dma_start3A_26 = tpu.memref_slice %arg5[%mul3A_2, %dma_start3A_25] : memref<10000x128xf32, #tpu.memory_space<hbm>> -> memref<624x128xf32, #tpu.memory_space<hbm>>
      tpu.enqueue_dma source(%dma_start3A_26 : memref<624x128xf32, #tpu.memory_space<hbm>>) target(%dma_start3A_24 : memref<624x128xf32, #tpu.memory_space<vmem_shared>>) target_semaphore(%run_scoped3A_23 : memref<!tpu.dma_semaphore, #tpu.memory_space<semaphore_mem>>)
      %dma_wait3A = arith.constant 0 : i32
      %dma_wait3A_27 = tpu.memref_slice %arg9[%mul3A_4, %dma_wait3A] : memref<10000x128xf32, #tpu.memory_space<vmem_shared>> -> memref<624x128xf32, #tpu.memory_space<vmem_shared>>
      %dma_wait3A_28 = arith.constant 0 : i32
      %dma_wait3A_29 = tpu.memref_slice %arg5[%mul3A_2, %dma_wait3A_28] : memref<10000x128xf32, #tpu.memory_space<hbm>> -> memref<624x128xf32, #tpu.memory_space<hbm>>
      tpu.wait_dma2 semaphore(%run_scoped3A_23 : memref<!tpu.dma_semaphore, #tpu.memory_space<semaphore_mem>>) src(%dma_wait3A_29 : memref<624x128xf32, #tpu.memory_space<hbm>>) dst(%dma_wait3A_27 : memref<624x128xf32, #tpu.memory_space<vmem_shared>>)
      tpu.yield
    }) : () -> ()
    %eq3A = arith.constant 15 : i32
    %eq3A_5 = arith.cmpi eq, %arg1, %eq3A : i32
    %convert_element_type3A = arith.extui %eq3A_5 : i1 to i32
    %cond3A = arith.constant 0 : i32
    %cond3A_6 = arith.cmpi ne, %convert_element_type3A, %cond3A : i32
    scf.if %cond3A_6 {
      "tpu.region"() ({
        %run_scoped3A_23 = tpu.sem_alloc : memref<!tpu.dma_semaphore, #tpu.memory_space<semaphore_mem>>
        %dma_start3A = arith.constant 9984 : i32
        %dma_start3A_24 = arith.constant 0 : i32
        %dma_start3A_25 = tpu.memref_slice %arg9[%dma_start3A, %dma_start3A_24] : memref<10000x128xf32, #tpu.memory_space<vmem_shared>> -> memref<16x128xf32, #tpu.memory_space<vmem_shared>>
        %dma_start3A_26 = arith.constant 9984 : i32
        %dma_start3A_27 = arith.constant 0 : i32
        %dma_start3A_28 = tpu.memref_slice %arg5[%dma_start3A_26, %dma_start3A_27] : memref<10000x128xf32, #tpu.memory_space<hbm>> -> memref<16x128xf32, #tpu.memory_space<hbm>>
        tpu.enqueue_dma source(%dma_start3A_28 : memref<16x128xf32, #tpu.memory_space<hbm>>) target(%dma_start3A_25 : memref<16x128xf32, #tpu.memory_space<vmem_shared>>) target_semaphore(%run_scoped3A_23 : memref<!tpu.dma_semaphore, #tpu.memory_space<semaphore_mem>>)
        %dma_wait3A = arith.constant 9984 : i32
        %dma_wait3A_29 = arith.constant 0 : i32
        %dma_wait3A_30 = tpu.memref_slice %arg9[%dma_wait3A, %dma_wait3A_29] : memref<10000x128xf32, #tpu.memory_space<vmem_shared>> -> memref<16x128xf32, #tpu.memory_space<vmem_shared>>
        %dma_wait3A_31 = arith.constant 9984 : i32
        %dma_wait3A_32 = arith.constant 0 : i32
        %dma_wait3A_33 = tpu.memref_slice %arg5[%dma_wait3A_31, %dma_wait3A_32] : memref<10000x128xf32, #tpu.memory_space<hbm>> -> memref<16x128xf32, #tpu.memory_space<hbm>>
        tpu.wait_dma2 semaphore(%run_scoped3A_23 : memref<!tpu.dma_semaphore, #tpu.memory_space<semaphore_mem>>) src(%dma_wait3A_33 : memref<16x128xf32, #tpu.memory_space<hbm>>) dst(%dma_wait3A_30 : memref<16x128xf32, #tpu.memory_space<vmem_shared>>)
        tpu.yield
      }) : () -> ()
    } else {
    }
    "tpu.region"() ({
      %run_scoped3A_23 = tpu.sem_alloc : memref<!tpu.dma_semaphore, #tpu.memory_space<semaphore_mem>>
      tpu.enqueue_dma source(%arg6 : memref<10000xf32, #tpu.memory_space<hbm>>) target(%arg11 : memref<10000xf32, #tpu.memory_space<vmem>>) target_semaphore(%run_scoped3A_23 : memref<!tpu.dma_semaphore, #tpu.memory_space<semaphore_mem>>)
      tpu.wait_dma2 semaphore(%run_scoped3A_23 : memref<!tpu.dma_semaphore, #tpu.memory_space<semaphore_mem>>) src(%arg6 : memref<10000xf32, #tpu.memory_space<hbm>>) dst(%arg11 : memref<10000xf32, #tpu.memory_space<vmem>>)
      tpu.yield
    }) : () -> ()
    %broadcast_in_dim3A = arith.constant 1.000000e+00 : f32
    %broadcast_in_dim3A_7 = vector.broadcast %broadcast_in_dim3A : f32 to vector<16xf32>
    %barrier3A = arith.constant 0 : index
    tpu.barrier barrier_id(%barrier3A)
    %scan3A = arith.constant 0 : i32
    %scan3A_8 = arith.constant 0 : i32
    %scan3A_9 = arith.constant 5 : i32
    %scan3A_10 = arith.addi %scan3A_8, %scan3A_9 : i32
    %scan3A_11 = arith.constant 1 : i32
    scf.for %scan3A_23 = %scan3A_8 to %scan3A_10 step %scan3A_11  : i32 {
      "tpu.region"() ({
        %run_scoped3A_42 = tpu.sem_alloc : memref<!tpu.dma_semaphore, #tpu.memory_space<semaphore_mem>>
        %dma_start3A_43 = arith.constant 0 : i32
        %dma_start3A_44 = arith.constant 0 : i32
        %dma_start3A_45 = tpu.memref_slice %arg3[%add3A, %scan3A_23, %dma_start3A_43, %dma_start3A_44] : memref<32x5x25x80xi32, #tpu.memory_space<hbm>> -> memref<1x1x25x80xi32, #tpu.memory_space<hbm>>
        %dma_start3A_46 = tpu.memref_squeeze %dma_start3A_45 : memref<1x1x25x80xi32, #tpu.memory_space<hbm>> -> memref<25x80xi32, #tpu.memory_space<hbm>>
        %dma_start3A_47 = arith.constant 0 : i32
        %dma_start3A_48 = arith.constant 0 : i32
        %dma_start3A_49 = tpu.memref_slice %arg3[%add3A, %scan3A_23, %dma_start3A_47, %dma_start3A_48] : memref<32x5x25x80xi32, #tpu.memory_space<hbm>> -> memref<1x1x25x80xi32, #tpu.memory_space<hbm>>
        %dma_start3A_50 = tpu.memref_squeeze %dma_start3A_49 : memref<1x1x25x80xi32, #tpu.memory_space<hbm>> -> memref<25x80xi32, #tpu.memory_space<hbm>>
        tpu.enqueue_dma source(%dma_start3A_50 : memref<25x80xi32, #tpu.memory_space<hbm>>) target(%arg16 : memref<25x80xi32, #tpu.memory_space<vmem>>) target_semaphore(%run_scoped3A_42 : memref<!tpu.dma_semaphore, #tpu.memory_space<semaphore_mem>>)
        %dma_wait3A_51 = arith.constant 0 : i32
        %dma_wait3A_52 = arith.constant 0 : i32
        %dma_wait3A_53 = tpu.memref_slice %arg3[%add3A, %scan3A_23, %dma_wait3A_51, %dma_wait3A_52] : memref<32x5x25x80xi32, #tpu.memory_space<hbm>> -> memref<1x1x25x80xi32, #tpu.memory_space<hbm>>
        %dma_wait3A_54 = tpu.memref_squeeze %dma_wait3A_53 : memref<1x1x25x80xi32, #tpu.memory_space<hbm>> -> memref<25x80xi32, #tpu.memory_space<hbm>>
        %dma_wait3A_55 = arith.constant 0 : i32
        %dma_wait3A_56 = arith.constant 0 : i32
        %dma_wait3A_57 = tpu.memref_slice %arg3[%add3A, %scan3A_23, %dma_wait3A_55, %dma_wait3A_56] : memref<32x5x25x80xi32, #tpu.memory_space<hbm>> -> memref<1x1x25x80xi32, #tpu.memory_space<hbm>>
        %dma_wait3A_58 = tpu.memref_squeeze %dma_wait3A_57 : memref<1x1x25x80xi32, #tpu.memory_space<hbm>> -> memref<25x80xi32, #tpu.memory_space<hbm>>
        tpu.wait_dma2 semaphore(%run_scoped3A_42 : memref<!tpu.dma_semaphore, #tpu.memory_space<semaphore_mem>>) src(%dma_wait3A_58 : memref<25x80xi32, #tpu.memory_space<hbm>>) dst(%arg16 : memref<25x80xi32, #tpu.memory_space<vmem>>)
        tpu.yield
      }) : () -> ()
      "tpu.region"() ({
        %run_scoped3A_42 = tpu.sem_alloc : memref<!tpu.dma_semaphore, #tpu.memory_space<semaphore_mem>>
        %dma_start3A_43 = arith.constant 0 : i32
        %dma_start3A_44 = arith.constant 0 : i32
        %dma_start3A_45 = tpu.memref_slice %arg4[%add3A, %scan3A_23, %dma_start3A_43, %dma_start3A_44] : memref<32x5x25x80xi32, #tpu.memory_space<hbm>> -> memref<1x1x25x80xi32, #tpu.memory_space<hbm>>
        %dma_start3A_46 = tpu.memref_squeeze %dma_start3A_45 : memref<1x1x25x80xi32, #tpu.memory_space<hbm>> -> memref<25x80xi32, #tpu.memory_space<hbm>>
        %dma_start3A_47 = arith.constant 0 : i32
        %dma_start3A_48 = arith.constant 0 : i32
        %dma_start3A_49 = tpu.memref_slice %arg4[%add3A, %scan3A_23, %dma_start3A_47, %dma_start3A_48] : memref<32x5x25x80xi32, #tpu.memory_space<hbm>> -> memref<1x1x25x80xi32, #tpu.memory_space<hbm>>
        %dma_start3A_50 = tpu.memref_squeeze %dma_start3A_49 : memref<1x1x25x80xi32, #tpu.memory_space<hbm>> -> memref<25x80xi32, #tpu.memory_space<hbm>>
        tpu.enqueue_dma source(%dma_start3A_50 : memref<25x80xi32, #tpu.memory_space<hbm>>) target(%arg10 : memref<25x80xi32, #tpu.memory_space<vmem>>) target_semaphore(%run_scoped3A_42 : memref<!tpu.dma_semaphore, #tpu.memory_space<semaphore_mem>>)
        %dma_wait3A_51 = arith.constant 0 : i32
        %dma_wait3A_52 = arith.constant 0 : i32
        %dma_wait3A_53 = tpu.memref_slice %arg4[%add3A, %scan3A_23, %dma_wait3A_51, %dma_wait3A_52] : memref<32x5x25x80xi32, #tpu.memory_space<hbm>> -> memref<1x1x25x80xi32, #tpu.memory_space<hbm>>
        %dma_wait3A_54 = tpu.memref_squeeze %dma_wait3A_53 : memref<1x1x25x80xi32, #tpu.memory_space<hbm>> -> memref<25x80xi32, #tpu.memory_space<hbm>>
        %dma_wait3A_55 = arith.constant 0 : i32
        %dma_wait3A_56 = arith.constant 0 : i32
        %dma_wait3A_57 = tpu.memref_slice %arg4[%add3A, %scan3A_23, %dma_wait3A_55, %dma_wait3A_56] : memref<32x5x25x80xi32, #tpu.memory_space<hbm>> -> memref<1x1x25x80xi32, #tpu.memory_space<hbm>>
        %dma_wait3A_58 = tpu.memref_squeeze %dma_wait3A_57 : memref<1x1x25x80xi32, #tpu.memory_space<hbm>> -> memref<25x80xi32, #tpu.memory_space<hbm>>
        tpu.wait_dma2 semaphore(%run_scoped3A_42 : memref<!tpu.dma_semaphore, #tpu.memory_space<semaphore_mem>>) src(%dma_wait3A_58 : memref<25x80xi32, #tpu.memory_space<hbm>>) dst(%arg10 : memref<25x80xi32, #tpu.memory_space<vmem>>)
        tpu.yield
      }) : () -> ()
      %dma_start3A = arith.constant 0 : i32
      %dma_start3A_24 = arith.constant 0 : i32
      %dma_start3A_25 = tpu.memref_slice %arg10[%dma_start3A, %dma_start3A_24] : memref<25x80xi32, #tpu.memory_space<vmem>> -> memref<1x80xi32, #tpu.memory_space<vmem>>
      %dma_start3A_26 = tpu.memref_squeeze %dma_start3A_25 : memref<1x80xi32, #tpu.memory_space<vmem>> -> memref<80xi32, #tpu.memory_space<vmem>>
      %dma_start3A_27 = arith.constant 0 : i32
      %dma_start3A_28 = arith.constant 0 : i32
      %dma_start3A_29 = tpu.memref_slice %arg2[%dma_start3A_27, %dma_start3A_28] : memref<10000x128xf32, #tpu.memory_space<hbm>> -> memref<10000x128xf32, #tpu.memory_space<hbm>>
      tpu.enqueue_indirect_dma source(%dma_start3A_29 : memref<10000x128xf32, #tpu.memory_space<hbm>>) target(%arg12 : memref<80x128xf32, #tpu.memory_space<vmem>>) offsets(%dma_start3A_26 : memref<80xi32, #tpu.memory_space<vmem>>) semaphore(%arg14 : memref<!tpu.dma_semaphore, #tpu.memory_space<semaphore_mem>>)
      %scan3A_30 = arith.constant 0 : i32
      %scan3A_31 = arith.constant 0 : i32
      %scan3A_32 = arith.constant 25 : i32
      %scan3A_33 = arith.addi %scan3A_31, %scan3A_32 : i32
      %scan3A_34 = arith.constant 1 : i32
      scf.for %scan3A_42 = %scan3A_31 to %scan3A_33 step %scan3A_34  : i32 {
        %scan3A_43 = arith.constant 0 : i32
        %scan3A_44 = arith.constant 0 : i32
        %scan3A_45 = arith.constant 5 : i32
        %scan3A_46 = arith.addi %scan3A_44, %scan3A_45 : i32
        %scan3A_47 = arith.constant 1 : i32
        scf.for %scan3A_68 = %scan3A_44 to %scan3A_46 step %scan3A_47  : i32 {
          %mul3A_69 = arith.constant 16 : i32
          %mul3A_70 = arith.muli %scan3A_68, %mul3A_69 : i32
          %get3A = arith.index_cast %scan3A_42 : i32 to index
          %get3A_71 = arith.index_cast %mul3A_70 : i32 to index
          %get3A_72 = tpu.vector_load %arg16[%get3A, %get3A_71] {strides = array<i32>} : memref<25x80xi32, #tpu.memory_space<vmem>>, vector<16xi32>,
          tpu.vector_store_idx %arg11[%get3A_72], %broadcast_in_dim3A_7 {add = true} : memref<10000xf32, #tpu.memory_space<vmem>>[vector<16xi32>], vector<16xf32>,
        }
        %scan3A_48 = arith.constant 5 : i32
        %jit3A = arith.constant 2 : i32
        %eq3A_49 = arith.constant 0 : i32
        %eq3A_50 = arith.cmpi eq, %jit3A, %eq3A_49 : i32
        %jit3A_51 = arith.constant 1 : i32
        %select_n3A = arith.select %eq3A_50, %jit3A_51, %jit3A : i32
        %rem3A = arith.remsi %scan3A_42, %select_n3A : i32
        %ne3A = arith.constant 0 : i32
        %ne3A_52 = arith.cmpi ne, %rem3A, %ne3A : i32
        %lt3A = arith.constant 0 : i32
        %lt3A_53 = arith.cmpi slt, %rem3A, %lt3A : i32
        %lt3A_54 = arith.constant 0 : i32
        %lt3A_55 = arith.cmpi slt, %select_n3A, %lt3A_54 : i32
        %ne3A_56 = arith.xori %lt3A_53, %lt3A_55 : i1
        %and3A = arith.andi %ne3A_56, %ne3A_52 : i1
        %add3A_57 = arith.addi %rem3A, %select_n3A : i32
        %select_n3A_58 = arith.select %and3A, %add3A_57, %rem3A : i32
        %eq3A_59 = arith.constant 0 : i32
        %eq3A_60 = arith.cmpi eq, %select_n3A_58, %eq3A_59 : i32
        %convert_element_type3A_61 = arith.extui %eq3A_60 : i1 to i32
        %cond3A_62 = arith.constant 0 : i32
        %cond3A_63 = arith.cmpi ne, %convert_element_type3A_61, %cond3A_62 : i32
        scf.if %cond3A_63 {
          %dma_wait3A_68 = arith.constant 0 : i32
          %dma_wait3A_69 = tpu.memref_slice %arg10[%scan3A_42, %dma_wait3A_68] : memref<25x80xi32, #tpu.memory_space<vmem>> -> memref<1x80xi32, #tpu.memory_space<vmem>>
          %dma_wait3A_70 = tpu.memref_squeeze %dma_wait3A_69 : memref<1x80xi32, #tpu.memory_space<vmem>> -> memref<80xi32, #tpu.memory_space<vmem>>
          %dma_wait3A_71 = arith.constant 0 : i32
          %dma_wait3A_72 = arith.constant 0 : i32
          %dma_wait3A_73 = tpu.memref_slice %arg2[%dma_wait3A_71, %dma_wait3A_72] : memref<10000x128xf32, #tpu.memory_space<hbm>> -> memref<10000x128xf32, #tpu.memory_space<hbm>>
          tpu.wait_indirect_dma semaphore(%arg14 : memref<!tpu.dma_semaphore, #tpu.memory_space<semaphore_mem>>) src(%dma_wait3A_73 : memref<10000x128xf32, #tpu.memory_space<hbm>>) dst(%arg12 : memref<80x128xf32, #tpu.memory_space<vmem>>)
          %dma_start3A_74 = arith.constant 0 : i32
          %dma_start3A_75 = tpu.memref_slice %arg16[%scan3A_42, %dma_start3A_74] : memref<25x80xi32, #tpu.memory_space<vmem>> -> memref<1x80xi32, #tpu.memory_space<vmem>>
          %dma_start3A_76 = tpu.memref_squeeze %dma_start3A_75 : memref<1x80xi32, #tpu.memory_space<vmem>> -> memref<80xi32, #tpu.memory_space<vmem>>
          %dma_start3A_77 = arith.constant 0 : i32
          %dma_start3A_78 = arith.constant 0 : i32
          %dma_start3A_79 = tpu.memref_slice %arg9[%dma_start3A_77, %dma_start3A_78] : memref<10000x128xf32, #tpu.memory_space<vmem_shared>> -> memref<10000x128xf32, #tpu.memory_space<vmem_shared>>
          tpu.enqueue_indirect_dma source(%arg12 : memref<80x128xf32, #tpu.memory_space<vmem>>) target(%dma_start3A_79 : memref<10000x128xf32, #tpu.memory_space<vmem_shared>>) offsets(%dma_start3A_76 : memref<80xi32, #tpu.memory_space<vmem>>) semaphore(%arg17 : memref<!tpu.dma_semaphore, #tpu.memory_space<semaphore_mem>>) {add = true}
          %ge3A = arith.constant 1 : i32
          %ge3A_80 = arith.cmpi sge, %scan3A_42, %ge3A : i32
          %convert_element_type3A_81 = arith.extui %ge3A_80 : i1 to i32
          %cond3A_82 = arith.constant 0 : i32
          %cond3A_83 = arith.cmpi ne, %convert_element_type3A_81, %cond3A_82 : i32
          scf.if %cond3A_83 {
            %sub3A = arith.constant 1 : i32
            %sub3A_91 = arith.subi %scan3A_42, %sub3A : i32
            %dma_wait3A_92 = arith.constant 0 : i32
            %dma_wait3A_93 = tpu.memref_slice %arg16[%sub3A_91, %dma_wait3A_92] : memref<25x80xi32, #tpu.memory_space<vmem>> -> memref<1x80xi32, #tpu.memory_space<vmem>>
            %dma_wait3A_94 = tpu.memref_squeeze %dma_wait3A_93 : memref<1x80xi32, #tpu.memory_space<vmem>> -> memref<80xi32, #tpu.memory_space<vmem>>
            %dma_wait3A_95 = arith.constant 0 : i32
            %dma_wait3A_96 = arith.constant 0 : i32
            %dma_wait3A_97 = tpu.memref_slice %arg9[%dma_wait3A_95, %dma_wait3A_96] : memref<10000x128xf32, #tpu.memory_space<vmem_shared>> -> memref<10000x128xf32, #tpu.memory_space<vmem_shared>>
            tpu.wait_indirect_dma semaphore(%arg18 : memref<!tpu.dma_semaphore, #tpu.memory_space<semaphore_mem>>) src(%arg13 : memref<80x128xf32, #tpu.memory_space<vmem>>) dst(%dma_wait3A_97 : memref<10000x128xf32, #tpu.memory_space<vmem_shared>>)
          } else {
          }
          %add3A_84 = arith.constant 1 : i32
          %add3A_85 = arith.addi %scan3A_42, %add3A_84 : i32
          %lt3A_86 = arith.constant 25 : i32
          %lt3A_87 = arith.cmpi slt, %add3A_85, %lt3A_86 : i32
          %convert_element_type3A_88 = arith.extui %lt3A_87 : i1 to i32
          %cond3A_89 = arith.constant 0 : i32
          %cond3A_90 = arith.cmpi ne, %convert_element_type3A_88, %cond3A_89 : i32
          scf.if %cond3A_90 {
            %add3A_91 = arith.constant 1 : i32
            %add3A_92 = arith.addi %scan3A_42, %add3A_91 : i32
            %dma_start3A_93 = arith.constant 0 : i32
            %dma_start3A_94 = tpu.memref_slice %arg10[%add3A_92, %dma_start3A_93] : memref<25x80xi32, #tpu.memory_space<vmem>> -> memref<1x80xi32, #tpu.memory_space<vmem>>
            %dma_start3A_95 = tpu.memref_squeeze %dma_start3A_94 : memref<1x80xi32, #tpu.memory_space<vmem>> -> memref<80xi32, #tpu.memory_space<vmem>>
            %dma_start3A_96 = arith.constant 0 : i32
            %dma_start3A_97 = arith.constant 0 : i32
            %dma_start3A_98 = tpu.memref_slice %arg2[%dma_start3A_96, %dma_start3A_97] : memref<10000x128xf32, #tpu.memory_space<hbm>> -> memref<10000x128xf32, #tpu.memory_space<hbm>>
            tpu.enqueue_indirect_dma source(%dma_start3A_98 : memref<10000x128xf32, #tpu.memory_space<hbm>>) target(%arg13 : memref<80x128xf32, #tpu.memory_space<vmem>>) offsets(%dma_start3A_95 : memref<80xi32, #tpu.memory_space<vmem>>) semaphore(%arg15 : memref<!tpu.dma_semaphore, #tpu.memory_space<semaphore_mem>>)
          } else {
          }
        } else {
        }
        %not3A = arith.constant true
        %not3A_64 = arith.xori %eq3A_60, %not3A : i1
        %convert_element_type3A_65 = arith.extui %not3A_64 : i1 to i32
        %cond3A_66 = arith.constant 0 : i32
        %cond3A_67 = arith.cmpi ne, %convert_element_type3A_65, %cond3A_66 : i32
        scf.if %cond3A_67 {
          %dma_wait3A_68 = arith.constant 0 : i32
          %dma_wait3A_69 = tpu.memref_slice %arg10[%scan3A_42, %dma_wait3A_68] : memref<25x80xi32, #tpu.memory_space<vmem>> -> memref<1x80xi32, #tpu.memory_space<vmem>>
          %dma_wait3A_70 = tpu.memref_squeeze %dma_wait3A_69 : memref<1x80xi32, #tpu.memory_space<vmem>> -> memref<80xi32, #tpu.memory_space<vmem>>
          %dma_wait3A_71 = arith.constant 0 : i32
          %dma_wait3A_72 = arith.constant 0 : i32
          %dma_wait3A_73 = tpu.memref_slice %arg2[%dma_wait3A_71, %dma_wait3A_72] : memref<10000x128xf32, #tpu.memory_space<hbm>> -> memref<10000x128xf32, #tpu.memory_space<hbm>>
          tpu.wait_indirect_dma semaphore(%arg15 : memref<!tpu.dma_semaphore, #tpu.memory_space<semaphore_mem>>) src(%dma_wait3A_73 : memref<10000x128xf32, #tpu.memory_space<hbm>>) dst(%arg13 : memref<80x128xf32, #tpu.memory_space<vmem>>)
          %dma_start3A_74 = arith.constant 0 : i32
          %dma_start3A_75 = tpu.memref_slice %arg16[%scan3A_42, %dma_start3A_74] : memref<25x80xi32, #tpu.memory_space<vmem>> -> memref<1x80xi32, #tpu.memory_space<vmem>>
          %dma_start3A_76 = tpu.memref_squeeze %dma_start3A_75 : memref<1x80xi32, #tpu.memory_space<vmem>> -> memref<80xi32, #tpu.memory_space<vmem>>
          %dma_start3A_77 = arith.constant 0 : i32
          %dma_start3A_78 = arith.constant 0 : i32
          %dma_start3A_79 = tpu.memref_slice %arg9[%dma_start3A_77, %dma_start3A_78] : memref<10000x128xf32, #tpu.memory_space<vmem_shared>> -> memref<10000x128xf32, #tpu.memory_space<vmem_shared>>
          tpu.enqueue_indirect_dma source(%arg13 : memref<80x128xf32, #tpu.memory_space<vmem>>) target(%dma_start3A_79 : memref<10000x128xf32, #tpu.memory_space<vmem_shared>>) offsets(%dma_start3A_76 : memref<80xi32, #tpu.memory_space<vmem>>) semaphore(%arg18 : memref<!tpu.dma_semaphore, #tpu.memory_space<semaphore_mem>>) {add = true}
          %ge3A = arith.constant 1 : i32
          %ge3A_80 = arith.cmpi sge, %scan3A_42, %ge3A : i32
          %convert_element_type3A_81 = arith.extui %ge3A_80 : i1 to i32
          %cond3A_82 = arith.constant 0 : i32
          %cond3A_83 = arith.cmpi ne, %convert_element_type3A_81, %cond3A_82 : i32
          scf.if %cond3A_83 {
            %sub3A = arith.constant 1 : i32
            %sub3A_91 = arith.subi %scan3A_42, %sub3A : i32
            %dma_wait3A_92 = arith.constant 0 : i32
            %dma_wait3A_93 = tpu.memref_slice %arg16[%sub3A_91, %dma_wait3A_92] : memref<25x80xi32, #tpu.memory_space<vmem>> -> memref<1x80xi32, #tpu.memory_space<vmem>>
            %dma_wait3A_94 = tpu.memref_squeeze %dma_wait3A_93 : memref<1x80xi32, #tpu.memory_space<vmem>> -> memref<80xi32, #tpu.memory_space<vmem>>
            %dma_wait3A_95 = arith.constant 0 : i32
            %dma_wait3A_96 = arith.constant 0 : i32
            %dma_wait3A_97 = tpu.memref_slice %arg9[%dma_wait3A_95, %dma_wait3A_96] : memref<10000x128xf32, #tpu.memory_space<vmem_shared>> -> memref<10000x128xf32, #tpu.memory_space<vmem_shared>>
            tpu.wait_indirect_dma semaphore(%arg17 : memref<!tpu.dma_semaphore, #tpu.memory_space<semaphore_mem>>) src(%arg12 : memref<80x128xf32, #tpu.memory_space<vmem>>) dst(%dma_wait3A_97 : memref<10000x128xf32, #tpu.memory_space<vmem_shared>>)
          } else {
          }
          %add3A_84 = arith.constant 1 : i32
          %add3A_85 = arith.addi %scan3A_42, %add3A_84 : i32
          %lt3A_86 = arith.constant 25 : i32
          %lt3A_87 = arith.cmpi slt, %add3A_85, %lt3A_86 : i32
          %convert_element_type3A_88 = arith.extui %lt3A_87 : i1 to i32
          %cond3A_89 = arith.constant 0 : i32
          %cond3A_90 = arith.cmpi ne, %convert_element_type3A_88, %cond3A_89 : i32
          scf.if %cond3A_90 {
            %add3A_91 = arith.constant 1 : i32
            %add3A_92 = arith.addi %scan3A_42, %add3A_91 : i32
            %dma_start3A_93 = arith.constant 0 : i32
            %dma_start3A_94 = tpu.memref_slice %arg10[%add3A_92, %dma_start3A_93] : memref<25x80xi32, #tpu.memory_space<vmem>> -> memref<1x80xi32, #tpu.memory_space<vmem>>
            %dma_start3A_95 = tpu.memref_squeeze %dma_start3A_94 : memref<1x80xi32, #tpu.memory_space<vmem>> -> memref<80xi32, #tpu.memory_space<vmem>>
            %dma_start3A_96 = arith.constant 0 : i32
            %dma_start3A_97 = arith.constant 0 : i32
            %dma_start3A_98 = tpu.memref_slice %arg2[%dma_start3A_96, %dma_start3A_97] : memref<10000x128xf32, #tpu.memory_space<hbm>> -> memref<10000x128xf32, #tpu.memory_space<hbm>>
            tpu.enqueue_indirect_dma source(%dma_start3A_98 : memref<10000x128xf32, #tpu.memory_space<hbm>>) target(%arg12 : memref<80x128xf32, #tpu.memory_space<vmem>>) offsets(%dma_start3A_95 : memref<80xi32, #tpu.memory_space<vmem>>) semaphore(%arg14 : memref<!tpu.dma_semaphore, #tpu.memory_space<semaphore_mem>>)
          } else {
          }
        } else {
        }
      }
      %scan3A_35 = arith.constant 25 : i32
      %dma_wait3A = arith.constant 24 : i32
      %dma_wait3A_36 = arith.constant 0 : i32
      %dma_wait3A_37 = tpu.memref_slice %arg16[%dma_wait3A, %dma_wait3A_36] : memref<25x80xi32, #tpu.memory_space<vmem>> -> memref<1x80xi32, #tpu.memory_space<vmem>>
      %dma_wait3A_38 = tpu.memref_squeeze %dma_wait3A_37 : memref<1x80xi32, #tpu.memory_space<vmem>> -> memref<80xi32, #tpu.memory_space<vmem>>
      %dma_wait3A_39 = arith.constant 0 : i32
      %dma_wait3A_40 = arith.constant 0 : i32
      %dma_wait3A_41 = tpu.memref_slice %arg9[%dma_wait3A_39, %dma_wait3A_40] : memref<10000x128xf32, #tpu.memory_space<vmem_shared>> -> memref<10000x128xf32, #tpu.memory_space<vmem_shared>>
      tpu.wait_indirect_dma semaphore(%arg17 : memref<!tpu.dma_semaphore, #tpu.memory_space<semaphore_mem>>) src(%arg12 : memref<80x128xf32, #tpu.memory_space<vmem>>) dst(%dma_wait3A_41 : memref<10000x128xf32, #tpu.memory_space<vmem_shared>>)
    }
    %scan3A_12 = arith.constant 5 : i32
    %barrier3A_13 = arith.constant 0 : index
    tpu.barrier barrier_id(%barrier3A_13)
    %mul3A_14 = arith.constant 624 : i32
    %mul3A_15 = arith.muli %arg1, %mul3A_14 : i32
    %mul3A_16 = arith.constant 624 : i32
    %mul3A_17 = arith.muli %arg1, %mul3A_16 : i32
    "tpu.region"() ({
      %run_scoped3A_23 = tpu.sem_alloc : memref<!tpu.dma_semaphore, #tpu.memory_space<semaphore_mem>>
      %dma_start3A = arith.constant 0 : i32
      %dma_start3A_24 = tpu.memref_slice %arg7[%arg0, %mul3A_17, %dma_start3A] : memref<2x10000x128xf32, #tpu.memory_space<hbm>> -> memref<1x624x128xf32, #tpu.memory_space<hbm>>
      %dma_start3A_25 = tpu.memref_squeeze %dma_start3A_24 : memref<1x624x128xf32, #tpu.memory_space<hbm>> -> memref<624x128xf32, #tpu.memory_space<hbm>>
      %dma_start3A_26 = arith.constant 0 : i32
      %dma_start3A_27 = tpu.memref_slice %arg9[%mul3A_15, %dma_start3A_26] : memref<10000x128xf32, #tpu.memory_space<vmem_shared>> -> memref<624x128xf32, #tpu.memory_space<vmem_shared>>
      tpu.enqueue_dma source(%dma_start3A_27 : memref<624x128xf32, #tpu.memory_space<vmem_shared>>) target(%dma_start3A_25 : memref<624x128xf32, #tpu.memory_space<hbm>>) target_semaphore(%run_scoped3A_23 : memref<!tpu.dma_semaphore, #tpu.memory_space<semaphore_mem>>)
      %dma_wait3A = arith.constant 0 : i32
      %dma_wait3A_28 = tpu.memref_slice %arg7[%arg0, %mul3A_17, %dma_wait3A] : memref<2x10000x128xf32, #tpu.memory_space<hbm>> -> memref<1x624x128xf32, #tpu.memory_space<hbm>>
      %dma_wait3A_29 = tpu.memref_squeeze %dma_wait3A_28 : memref<1x624x128xf32, #tpu.memory_space<hbm>> -> memref<624x128xf32, #tpu.memory_space<hbm>>
      %dma_wait3A_30 = arith.constant 0 : i32
      %dma_wait3A_31 = tpu.memref_slice %arg9[%mul3A_15, %dma_wait3A_30] : memref<10000x128xf32, #tpu.memory_space<vmem_shared>> -> memref<624x128xf32, #tpu.memory_space<vmem_shared>>
      tpu.wait_dma2 semaphore(%run_scoped3A_23 : memref<!tpu.dma_semaphore, #tpu.memory_space<semaphore_mem>>) src(%dma_wait3A_31 : memref<624x128xf32, #tpu.memory_space<vmem_shared>>) dst(%dma_wait3A_29 : memref<624x128xf32, #tpu.memory_space<hbm>>)
      tpu.yield
    }) : () -> ()
    %eq3A_18 = arith.constant 15 : i32
    %eq3A_19 = arith.cmpi eq, %arg1, %eq3A_18 : i32
    %convert_element_type3A_20 = arith.extui %eq3A_19 : i1 to i32
    %cond3A_21 = arith.constant 0 : i32
    %cond3A_22 = arith.cmpi ne, %convert_element_type3A_20, %cond3A_21 : i32
    scf.if %cond3A_22 {
      "tpu.region"() ({
        %run_scoped3A_23 = tpu.sem_alloc : memref<!tpu.dma_semaphore, #tpu.memory_space<semaphore_mem>>
        %dma_start3A = arith.constant 9984 : i32
        %dma_start3A_24 = arith.constant 0 : i32
        %dma_start3A_25 = tpu.memref_slice %arg7[%arg0, %dma_start3A, %dma_start3A_24] : memref<2x10000x128xf32, #tpu.memory_space<hbm>> -> memref<1x16x128xf32, #tpu.memory_space<hbm>>
        %dma_start3A_26 = tpu.memref_squeeze %dma_start3A_25 : memref<1x16x128xf32, #tpu.memory_space<hbm>> -> memref<16x128xf32, #tpu.memory_space<hbm>>
        %dma_start3A_27 = arith.constant 9984 : i32
        %dma_start3A_28 = arith.constant 0 : i32
        %dma_start3A_29 = tpu.memref_slice %arg9[%dma_start3A_27, %dma_start3A_28] : memref<10000x128xf32, #tpu.memory_space<vmem_shared>> -> memref<16x128xf32, #tpu.memory_space<vmem_shared>>
        tpu.enqueue_dma source(%dma_start3A_29 : memref<16x128xf32, #tpu.memory_space<vmem_shared>>) target(%dma_start3A_26 : memref<16x128xf32, #tpu.memory_space<hbm>>) target_semaphore(%run_scoped3A_23 : memref<!tpu.dma_semaphore, #tpu.memory_space<semaphore_mem>>)
        %dma_wait3A = arith.constant 9984 : i32
        %dma_wait3A_30 = arith.constant 0 : i32
        %dma_wait3A_31 = tpu.memref_slice %arg7[%arg0, %dma_wait3A, %dma_wait3A_30] : memref<2x10000x128xf32, #tpu.memory_space<hbm>> -> memref<1x16x128xf32, #tpu.memory_space<hbm>>
        %dma_wait3A_32 = tpu.memref_squeeze %dma_wait3A_31 : memref<1x16x128xf32, #tpu.memory_space<hbm>> -> memref<16x128xf32, #tpu.memory_space<hbm>>
        %dma_wait3A_33 = arith.constant 9984 : i32
        %dma_wait3A_34 = arith.constant 0 : i32
        %dma_wait3A_35 = tpu.memref_slice %arg9[%dma_wait3A_33, %dma_wait3A_34] : memref<10000x128xf32, #tpu.memory_space<vmem_shared>> -> memref<16x128xf32, #tpu.memory_space<vmem_shared>>
        tpu.wait_dma2 semaphore(%run_scoped3A_23 : memref<!tpu.dma_semaphore, #tpu.memory_space<semaphore_mem>>) src(%dma_wait3A_35 : memref<16x128xf32, #tpu.memory_space<vmem_shared>>) dst(%dma_wait3A_32 : memref<16x128xf32, #tpu.memory_space<hbm>>)
        tpu.yield
      }) : () -> ()
    } else {
    }
    %run_scoped3A = arith.constant 0 : i32
    "tpu.region"() ({
      %run_scoped3A_23 = tpu.sem_alloc : memref<!tpu.dma_semaphore, #tpu.memory_space<semaphore_mem>>
      %dma_start3A = arith.constant 0 : i32
      %dma_start3A_24 = tpu.memref_slice %arg8[%add3A, %run_scoped3A, %dma_start3A] : memref<32x1x10000xf32, #tpu.memory_space<hbm>> -> memref<1x1x10000xf32, #tpu.memory_space<hbm>>
      %dma_start3A_25 = tpu.memref_squeeze %dma_start3A_24 : memref<1x1x10000xf32, #tpu.memory_space<hbm>> -> memref<10000xf32, #tpu.memory_space<hbm>>
      %dma_start3A_26 = arith.constant 0 : i32
      %dma_start3A_27 = tpu.memref_slice %arg8[%add3A, %run_scoped3A, %dma_start3A_26] : memref<32x1x10000xf32, #tpu.memory_space<hbm>> -> memref<1x1x10000xf32, #tpu.memory_space<hbm>>
      %dma_start3A_28 = tpu.memref_squeeze %dma_start3A_27 : memref<1x1x10000xf32, #tpu.memory_space<hbm>> -> memref<10000xf32, #tpu.memory_space<hbm>>
      tpu.enqueue_dma source(%arg11 : memref<10000xf32, #tpu.memory_space<vmem>>) target(%dma_start3A_28 : memref<10000xf32, #tpu.memory_space<hbm>>) target_semaphore(%run_scoped3A_23 : memref<!tpu.dma_semaphore, #tpu.memory_space<semaphore_mem>>)
      %dma_wait3A = arith.constant 0 : i32
      %dma_wait3A_29 = tpu.memref_slice %arg8[%add3A, %run_scoped3A, %dma_wait3A] : memref<32x1x10000xf32, #tpu.memory_space<hbm>> -> memref<1x1x10000xf32, #tpu.memory_space<hbm>>
      %dma_wait3A_30 = tpu.memref_squeeze %dma_wait3A_29 : memref<1x1x10000xf32, #tpu.memory_space<hbm>> -> memref<10000xf32, #tpu.memory_space<hbm>>
      %dma_wait3A_31 = arith.constant 0 : i32
      %dma_wait3A_32 = tpu.memref_slice %arg8[%add3A, %run_scoped3A, %dma_wait3A_31] : memref<32x1x10000xf32, #tpu.memory_space<hbm>> -> memref<1x1x10000xf32, #tpu.memory_space<hbm>>
      %dma_wait3A_33 = tpu.memref_squeeze %dma_wait3A_32 : memref<1x1x10000xf32, #tpu.memory_space<hbm>> -> memref<10000xf32, #tpu.memory_space<hbm>>
      tpu.wait_dma2 semaphore(%run_scoped3A_23 : memref<!tpu.dma_semaphore, #tpu.memory_space<semaphore_mem>>) src(%arg11 : memref<10000xf32, #tpu.memory_space<vmem>>) dst(%dma_wait3A_33 : memref<10000xf32, #tpu.memory_space<hbm>>)
      tpu.yield
    }) : () -> ()
    return
  }
}

module attributes {stable_mosaic.version = 14 : i64} {
  func.func @_deg_reduce_block(%arg0: memref<1xf32, #tpu.memory_space<smem>>, %arg1: memref<32x10000xf32, #tpu.memory_space<vmem>>, %arg2: memref<10000xf32, #tpu.memory_space<vmem>>) attributes {dimension_semantics = [], scalar_prefetch = 0 : i64, scratch_operands = 0 : i64, tpu.core_type = #tpu.core_type<tc>} {
    %get3A = arith.constant 0 : index
    %get3A_0 = memref.load %arg0[%get3A] : memref<1xf32, #tpu.memory_space<smem>>
    %get3A_1 = arith.constant 0 : index
    %get3A_2 = arith.constant 0 : index
    %get3A_3 = vector.load %arg1[%get3A_1, %get3A_2] : memref<32x10000xf32, #tpu.memory_space<vmem>>, vector<32x10000xf32>
    %reduce_sum3A = arith.constant dense<0.000000e+00> : vector<10000xf32>
    %reduce_sum3A_4 = vector.multi_reduction <add>, %get3A_3, %reduce_sum3A [0] : vector<32x10000xf32> to vector<10000xf32>
    %add3A = vector.broadcast %get3A_0 : f32 to vector<10000xf32>
    %add3A_5 = arith.addf %add3A, %reduce_sum3A_4 : vector<10000xf32>
    %div3A = arith.constant 1.000000e+00 : f32
    %div3A_6 = vector.broadcast %div3A : f32 to vector<10000xf32>
    %div3A_7 = arith.divf %div3A_6, %add3A_5 : vector<10000xf32>
    %swap3A = arith.constant 0 : index
    %swap3A_8 = vector.load %arg2[%swap3A] : memref<10000xf32, #tpu.memory_space<vmem>>, vector<10000xf32>
    tpu.vector_store %arg2[%swap3A], %div3A_7 {strides = array<i32>} : memref<10000xf32, #tpu.memory_space<vmem>>, vector<10000xf32>,
    return
  }
}

module attributes {stable_mosaic.version = 14 : i64} {
  func.func @_finalize_block(%arg0: i32, %arg1: memref<1xf32, #tpu.memory_space<smem>>, %arg2: memref<2000x128xf32, #tpu.memory_space<vmem>>, %arg3: memref<2000x128xf32, #tpu.memory_space<vmem>>, %arg4: memref<2000x128xf32, #tpu.memory_space<vmem>>, %arg5: memref<2000x1xf32, #tpu.memory_space<vmem>>, %arg6: memref<2000x128xf32, #tpu.memory_space<vmem>>) attributes {dimension_semantics = [#tpu.dimension_semantics<arbitrary>], iteration_bounds = array<i64: 5>, scalar_prefetch = 0 : i64, scratch_operands = 0 : i64, tpu.core_type = #tpu.core_type<tc>, window_params = [{transform_indices = @transform_0, window_bounds = array<i64: 1>}, {transform_indices = @transform_1, window_bounds = array<i64: 2000, 128>}, {transform_indices = @transform_2, window_bounds = array<i64: 2000, 128>}, {transform_indices = @transform_3, window_bounds = array<i64: 2000, 128>}, {transform_indices = @transform_4, window_bounds = array<i64: 2000, 1>}, {transform_indices = @transform_5, window_bounds = array<i64: 2000, 128>}]} {
    %get3A = arith.constant 0 : index
    %get3A_0 = memref.load %arg1[%get3A] : memref<1xf32, #tpu.memory_space<smem>>
    %get3A_1 = arith.constant 0 : index
    %get3A_2 = arith.constant 0 : index
    %get3A_3 = vector.load %arg2[%get3A_1, %get3A_2] : memref<2000x128xf32, #tpu.memory_space<vmem>>, vector<2000x128xf32>
    %mul3A = vector.broadcast %get3A_0 : f32 to vector<2000x128xf32>
    %mul3A_4 = arith.mulf %mul3A, %get3A_3 : vector<2000x128xf32>
    %get3A_5 = arith.constant 0 : index
    %get3A_6 = arith.constant 0 : index
    %get3A_7 = vector.load %arg3[%get3A_5, %get3A_6] : memref<2000x128xf32, #tpu.memory_space<vmem>>, vector<2000x128xf32>
    %add3A = arith.addf %mul3A_4, %get3A_7 : vector<2000x128xf32>
    %get3A_8 = arith.constant 0 : index
    %get3A_9 = arith.constant 0 : index
    %get3A_10 = vector.load %arg4[%get3A_8, %get3A_9] : memref<2000x128xf32, #tpu.memory_space<vmem>>, vector<2000x128xf32>
    %add3A_11 = arith.addf %add3A, %get3A_10 : vector<2000x128xf32>
    %get3A_12 = arith.constant 0 : index
    %get3A_13 = arith.constant 0 : index
    %get3A_14 = vector.load %arg5[%get3A_12, %get3A_13] : memref<2000x1xf32, #tpu.memory_space<vmem>>, vector<2000x1xf32>
    %mul3A_15 = vector.broadcast %get3A_14 : vector<2000x1xf32> to vector<2000x128xf32>
    %mul3A_16 = arith.mulf %add3A_11, %mul3A_15 : vector<2000x128xf32>
    %swap3A = arith.constant 0 : index
    %swap3A_17 = arith.constant 0 : index
    %swap3A_18 = vector.load %arg6[%swap3A, %swap3A_17] : memref<2000x128xf32, #tpu.memory_space<vmem>>, vector<2000x128xf32>
    tpu.vector_store %arg6[%swap3A, %swap3A_17], %mul3A_16 {strides = array<i32>} : memref<2000x128xf32, #tpu.memory_space<vmem>>, vector<2000x128xf32>,
    return
  }
  func.func @transform_0(%arg0: i32) -> i32 {
    %c0_i32 = arith.constant 0 : i32
    %c0_i32_0 = arith.constant 0 : i32
    return %c0_i32 : i32
  }
  func.func @transform_1(%arg0: i32) -> (i32, i32) {
    %c0_i32 = arith.constant 0 : i32
    %c0_i32_0 = arith.constant 0 : i32
    return %arg0, %c0_i32 : i32, i32
  }
  func.func @transform_2(%arg0: i32) -> (i32, i32) {
    %c0_i32 = arith.constant 0 : i32
    %c0_i32_0 = arith.constant 0 : i32
    return %arg0, %c0_i32 : i32, i32
  }
  func.func @transform_3(%arg0: i32) -> (i32, i32) {
    %c0_i32 = arith.constant 0 : i32
    %c0_i32_0 = arith.constant 0 : i32
    return %arg0, %c0_i32 : i32, i32
  }
  func.func @transform_4(%arg0: i32) -> (i32, i32) {
    %c0_i32 = arith.constant 0 : i32
    %c0_i32_0 = arith.constant 0 : i32
    return %arg0, %c0_i32 : i32, i32
  }
  func.func @transform_5(%arg0: i32) -> (i32, i32) {
    %c0_i32 = arith.constant 0 : i32
    %c0_i32_0 = arith.constant 0 : i32
    return %arg0, %c0_i32 : i32, i32
  }
}

</mosaic_0001>

<sc_bundles>
// kernel: kernel.5.cloned.1.call-start
scs
__scs_entry_jumppad:
0x0: {  	(pc) =	sbr.rel $0x88, $3  }
0x1: {  	(tag) =	ssettag $0x0;
	lr =	simm.s32 $0x1  }
0x2: {  	[smem:$0x3F9E] =	sst lr;
	_ =	strace $0xD0000000  }
0x3: {  	_ = 	snop  }
0x4: {  	_ = 	snop  }
0x5: {  	_ = 	snop  }
0x6: {  	_ = 	snop  }
0x7: {  	_ = 	snop  }
__scs_overlays_trampoline_lowered:
0x8: {  	[smem:$0x3FAD] =	sst s0  }
0x9: {  	[smem:$0x3FAE] =	sst s1  }
0xa: {  	[smem:$0x3FAF] =	sst s2  }
0xb: {  	[smem:$0x3FB0] =	sst s3  }
0xc: {  	[smem:$0x3FB1] =	sst s4  }
0xd: {  	[smem:$0x3FB2] =	sst s5  }
0xe: {  	[smem:$0x3FB3] =	sst s6  }
0xf: {  	[smem:$0x3FB4] =	sst s7  }
0x10: {  	[smem:$0x3FB5] =	sst s8  }
0x11: {  	[smem:$0x3FB6] =	sst s9;
	s0 =	simm.s32 @!p0 $0x0  }
0x12: {  	s1 =	sld [smem:$0x3F9C];
	s0 =	simm.s32 @p0 $0x1  }
0x13: {  	[smem:$0x3FB7] =	sst s0;
	s0 =	simm.s32 @!p1 $0x0  }
0x14: {  	s2 =	sld [smem:$0x3F9B];
	s0 =	simm.s32 @p1 $0x1  }
0x15: {  	[smem:$0x3FB8] =	sst s0;
	s0 =	simm.s32 @!p2 $0x0  }
0x16: {  	s3 =	sld [smem:$0x3FDB];
	s0 =	simm.s32 @p2 $0x1  }
0x17: {  	s4 =	simm.s32 $0x1BF5;
	[smem:$0x3FBA] =	sst s0  }
0x18: {  	s0 =	sld [smem:$0x3F9D];
	_ =	swait.ge [sflag:s4], $0x0  }
0x19: {  	s7 =	sld [smem:$0x3F9E]  }
0x1a: {  	s8 =	sadd.s32 $0xFFFFE003, lr  }
0x1b: {  	s9 =	sadd.s32 $0xFFFFFEF7, lr;
	s5 =	simm.s32 $0xFFFFFFFF;
	p2 =	slt.u32 s8, $0xFFFFF086  }
0x1c: {  	p1 =	slt.u32 s9, $0xF7A;
	s5 =	simm.s32 @!p2 $0x0  }
0x1d: {  	s5 =	simm.s32 @p1 $0x1;
	p0 =	seq.s32 s7, s2  }
0x1e: {  	s7 =	smul.u32 @!p0 $0xF7A, s2;
	p2 =	seq.s32 @!p0 s5, $0x0  }
0x1f: {  	s9 =	smul.u32 $0xF7A, s1;
	s8 =	simm.s32 @!p0 $0x1BF5;
	p2 =	por !p2, p0  }
0x20: {  	[sflag:s8] =	ssyncset.s32 @!p0 $0xFFFFF086;
	s6 =	sadd.s32 @!p0 s3, s7;
	s7 =	simm.s32 @!p0 $0x108  }
0x21: {  	s3 =	sadd.s32 s3, s9;
	s6 =	sadd.s32 @!p0 $0x88, s6;
	s7 =	simm.s32 @p2 $0x1082  }
0x22: {  	[simem:s7], [sflag:s8] =	dma.local @!p0 [hbm:s6], $0xF7A  }
0x23: {  	s9 =	sor.u32 $0xD0000000, s2;
	s6 =	simm.s32 $0x108;
	_ =	swait.ge @!p0 [sflag:s8], $0x0  }
0x24: {  	s3 =	sadd.s32 $0x88, s3;
	s6 =	simm.s32 @!p1 $0x1082;
	[sflag:s4] =	ssyncset.s32 $0xFFFFF086  }
0x25: {  	[simem:s6], [sflag:s4] =	dma.local [hbm:s3], $0xF7A  }
0x26: {  	[smem:$0x3F9E] =	sst s1;
	(tag) =	ssettag s2;
	_ =	strace s9  }
0x27: {  	s1 =	sld [smem:$0x3FAE]  }
0x28: {  	s2 =	sld [smem:$0x3FAF]  }
0x29: {  	s4 =	sld [smem:$0x3FB1]  }
0x2a: {  	p0 =	seq.s32 s5, $0x0;
	s5 =	sld [smem:$0x3FB2]  }
0x2b: {  	s6 =	sld [smem:$0x3FB3]  }
0x2c: {  	s7 =	sld [smem:$0x3FB4]  }
0x2d: {  	s3 =	simm.s32 $0x108;
	s8 =	sld [smem:$0x3FB5]  }
0x2e: {  	s3 =	simm.s32 @!p0 $0x1082;
	s9 =	sld [smem:$0x3FB6]  }
0x2f: {  	lr =	sadd.s32 s0, s3;
	s0 =	sld [smem:$0x3FAD]  }
0x30: {  	s3 =	sld [smem:$0x3FB0]  }
0x31: {  	[smem:$0x3FB9] =	sst s10  }
0x32: {  	s10 =	sld [smem:$0x3FB7];
	_ =	sdelay $0x3  }
0x33: {  	p0 =	seq.s32 s10, $0x1;
	s10 =	sld [smem:$0x3FB9];
	_ =	sdelay $0x3  }
0x34: {  	[smem:$0x3FB9] =	sst s10  }
0x35: {  	s10 =	sld [smem:$0x3FB8];
	_ =	sdelay $0x3  }
0x36: {  	p1 =	seq.s32 s10, $0x1;
	s10 =	sld [smem:$0x3FB9];
	_ =	sdelay $0x3  }
0x37: {  	[smem:$0x3FB9] =	sst s10  }
0x38: {  	s10 =	sld [smem:$0x3FBA]  }
0x39: {  	_ = 	snop;
	(pc) =	sbr.ind lr, $3  }
0x3a: {  	_ = 	snop  }
0x3b: {  	_ = 	snop  }
0x3c: {  	p2 =	seq.s32 s10, $0x1;
	s10 =	sld [smem:$0x3FB9]  }
0x3d: {  	_ =	shalt  }
0x3e: {  	_ =	shalt  }
0x3f: {  	_ =	shalt  }
0x40: {  	_ =	shalt  }
0x41: {  	_ =	shalt  }
0x42: {  	_ =	shalt  }
0x43: {  	_ =	shalt  }
0x44: {  	_ =	shalt  }
0x45: {  	_ =	shalt  }
0x46: {  	_ =	shalt  }
0x47: {  	_ =	shalt  }
0x48: {  	_ =	shalt  }
0x49: {  	_ =	shalt  }
0x4a: {  	_ =	shalt  }
0x4b: {  	_ =	shalt  }
0x4c: {  	_ =	shalt  }
0x4d: {  	_ =	shalt  }
0x4e: {  	_ =	shalt  }
0x4f: {  	_ =	shalt  }
0x50: {  	_ =	shalt  }
0x51: {  	_ =	shalt  }
0x52: {  	_ =	shalt  }
0x53: {  	_ =	shalt  }
0x54: {  	_ =	shalt  }
0x55: {  	_ =	shalt  }
0x56: {  	_ =	shalt  }
0x57: {  	_ =	shalt  }
0x58: {  	_ =	shalt  }
0x59: {  	_ =	shalt  }
0x5a: {  	_ =	shalt  }
0x5b: {  	_ =	shalt  }
0x5c: {  	_ =	shalt  }
0x5d: {  	_ =	shalt  }
0x5e: {  	_ =	shalt  }
0x5f: {  	_ =	shalt  }
0x60: {  	_ =	shalt  }
0x61: {  	_ =	shalt  }
0x62: {  	_ =	shalt  }
0x63: {  	_ =	shalt  }
0x64: {  	_ =	shalt  }
0x65: {  	_ =	shalt  }
0x66: {  	_ =	shalt  }
0x67: {  	_ =	shalt  }
0x68: {  	_ =	shalt  }
0x69: {  	_ =	shalt  }
0x6a: {  	_ =	shalt  }
0x6b: {  	_ =	shalt  }
0x6c: {  	_ =	shalt  }
0x6d: {  	_ =	shalt  }
0x6e: {  	_ =	shalt  }
0x6f: {  	_ =	shalt  }
0x70: {  	_ =	shalt  }
0x71: {  	_ =	shalt  }
0x72: {  	_ =	shalt  }
0x73: {  	_ =	shalt  }
0x74: {  	_ =	shalt  }
0x75: {  	_ =	shalt  }
0x76: {  	_ =	shalt  }
0x77: {  	_ =	shalt  }
0x78: {  	_ =	shalt  }
0x79: {  	_ =	shalt  }
0x7a: {  	_ =	shalt  }
0x7b: {  	_ =	shalt  }
0x7c: {  	_ =	shalt  }
0x7d: {  	_ =	shalt  }
0x7e: {  	_ =	shalt  }
0x7f: {  	_ =	shalt  }
0x80: {  	_ =	shalt  }
0x81: {  	_ =	shalt  }
0x82: {  	_ =	shalt  }
0x83: {  	_ =	shalt  }
0x84: {  	_ =	shalt  }
0x85: {  	_ =	shalt  }
0x86: {  	_ =	shalt  }
0x87: {  	_ =	shalt  }
.Lfunc_end0:
.L_simem_size_0:
called_computation_lowered:
.L_overlay_start_0:
0x88: {  	s2 =	sld [smem:$0x3FD9]  }
0x89: {  	s3 =	sld [smem:$0x3FFE];
	_ =	sdelay $0x1  }
0x8a: {  	s1 =	srdreg.scid  }
0x8b: {  	s0 =	sand.u32 $0x1, s1  }
0x8c: {  	s17 =	sshll.u32 s0, $0xA;
	s2 =	sadd.s32 s3, s2  }
0x8d: {  	s2 =	sadd.s32 s2, s17  }
0x8e: {  	[smem:$0x3FC5] =	sst s2  }
0x8f: {  	_ = 	snop  }
0x90: {  	s2 =	sld [smem:$0x3FC9]  }
0x91: {  	s18 =	sld [smem:$0x3FD0];
	(tm) =	ssettm $0x1  }
0x92: {  	s4 =	sld [smem:$0x3FFB];
	_ =	sdelay $0x3  }
0x93: {  	_ =	strace s4  }
0x94: {  	s4 =	sld [smem:$0x3FFC];
	_ =	sdelay $0x3  }
0x95: {  	_ =	strace s4  }
0x96: {  	s4 =	sld [smem:$0x3FFD];
	_ =	sdelay $0x3  }
0x97: {  	_ =	strace s4  }
0x98: {  	_ =	strace $0x8FFFFFFF  }
0x99: {  	s19 =	sld [smem:$0x3FDB];
	_ =	sdelay $0x1  }
0x9a: {  	s5 =	simm.s32 $_scs_section_size  }
0x9b: {  	s6 =	simm.s32 $_size__tile_overlayer_lowered;
	s7 =	simm.s32 $_tile_overlayer_lowered  }
0x9c: {  	s22 =	simm.s32 $0x1BFF;
	s21 =	sshll.u32 s7, $0x1;
	s4 =	sadd.s32 s5, s19  }
0x9d: {  	s8 =	simm.s32 $0x0;
	s20 =	sshll.u32 s6, $0x1;
	s6 =	sadd.s32 s21, s4  }
0x9e: {  	[timem:s8], [sflag:s22] =	dma.local [hbm:s6], s20  }
0x9f: {  	_ =	swait.ge [sflag:s22], s20  }
0xa0: {  	s5 =	ssub.s32 $0x0, s20;
	[sflag:s22] =	ssyncset.done $0x0  }
0xa1: {  	[sflag:s22] =	ssyncadd.s32 s5;
	_ =	sdelay $0x1  }
0xa2: {  	s23 =	simm.s32 $0x1B8B  }
0xa3: {  	_ =	swait.ge [sflag:s23], $0x1  }
0xa4: {  	[sflag:s23] =	ssyncset.done $0x0  }
0xa5: {  	s25 =	simm.s32 $0x1B8E;
	s24 =	sld [smem:$0x3FFE];
	[sflag:s23] =	ssyncadd.s32 $0xFFFFFFFF  }
0xa6: {  	s26 =	simm.s32 $execute0_lowered;
	[smem:$0x3FD2] =	sst s25  }
0xa7: {  	s6 =	sshll.u32 s26, $0x1;
	_ =	strace $0x80000046;
	[dreg:$0x1] =	wrdreg $0xFFFFFFFF  }
0xa8: {  	s28 =	simm.s32 $_size_execute0_lowered;
	s4 =	sadd.s32 s4, s6;
	[dreg:$0x0] =	wrdreg $0x0  }
0xa9: {  	s6 =	sshll.u32 s28, $0x1;
	[dreg:$0x2] =	wrdreg s4  }
0xaa: {  	[dreg:$0x3] =	wrdreg s6  }
0xab: {  	[dreg:$0x4] =	wrdreg $0xC0  }
0xac: {  	_ =	task [dreg:s8], $0x5FFFF  }
0xad: {  	[dreg:$0x1] =	wrdreg $0xFFFFFFFF  }
0xae: {  	[dreg:$0x0] =	wrdreg $0x60  }
0xaf: {  	[dreg:$0x2] =	wrdreg s2  }
0xb0: {  	[dreg:$0x3] =	wrdreg s24  }
0xb1: {  	[dreg:$0x4] =	wrdreg s18  }
0xb2: {  	[dreg:$0x5] =	wrdreg $0x0  }
0xb3: {  	[dreg:$0x6] =	wrdreg $0x9  }
0xb4: {  	_ =	task.clear_ibuf [dreg:s8], $0x7FFFF;
	_ =	strace $0x90000046  }
0xb5: {  	s29 =	simm.s32 $0x9;
	_ =	strace $0x80000048  }
0xb6: {  	_ =	swait.ge [sflag:s29], $0x1  }
0xb7: {  	[sflag:s29] =	ssyncadd.s32 $0xFFFFFFFF  }
0xb8: {  	_ =	strace $0x90000048  }
0xb9: {  	_ =	sfence  }
0xba: {  	s30 =	sld [smem:$0x0];
	_ =	sdelay $0x2  }
0xbb: {  	s31 =	sshll.u32 s1, $0xD;
	s1 =	sshrl.u32 s1, $0x2  }
0xbc: {  	s3 =	sand.u32 $0x4000, s31;
	s1 =	sadd.s32 s1, s30  }
0xbd: {  	s0 =	sor.u32 s3, s0;
	s1 =	sshll.u32 s1, $0x11  }
0xbe: {  	s0 =	sor.u32 s1, s0  }
0xbf: {  	s0 =	sadd.s32 $0x8F2B, s0  }
0xc0: {  	[sflag:s0] =	ssyncadd.remote.s32 $0x1  }
0xc1: {  	_ =	sfence.sel $0xFFFF  }
0xc2: {  	[dreg:$0x0] =	wrdreg $0xFFFFFFFF;
	(pc) =	sbr.abs _section_cstart, $3  }
0xc3: {  	[dreg:$0x1] =	wrdreg $0xFFFFFFFF  }
0xc4: {  	_ =	task.clear_ibuf [dreg:s8], $0x2FFFF;
	_ =	strace $0x9FFFFFFF  }
0xc5: {  	(tm) =	ssettm $0x7FFFFFFF  }
tec
execute0_lowered:
.L_overlay_start_1:
0x0: {  	(tag) =	ssettag $0x1  }
0x1: {  	s1 =	rddreg [dreg:$0x0]  }
0x2: {  	s0 =	rddreg [dreg:$0x1]  }
0x3: {  	s3 =	rddreg [dreg:$0x2]  }
0x4: {  	s2 =	rddreg [dreg:$0x3]  }
0x5: {  	s5 =	srdreg.scid;
	s4 =	simm.s32 $0x0;
	s17 =	stileid.u32  }
0x6: {  	s19 =	simm.s32 $0x14880;
	s28 =	simm.s32 $0x1CC00;
	s29 =	simm.s32 $0x4  }
0x7: {  	s30 =	simm.s32 $0x3;
	s31 =	simm.s32 $0x0;
	s7 =	sand.u32 $0x1, s5  }
0x8: {  	[smem:$0x7FF] =	sst s4;
	s6 =	sadd.s32 $0x14C00, s0;
	s11 =	smul.u32 $0x4E000, s17  }
0x9: {  	s10 =	sadd.s32 $0x28C00, s0;
	s12 =	sadd.s32 $0x29200, s0;
	s14 =	smul.u32 $0x13800, s17  }
0xa: {  	s23 =	sshll.u32 s17, $0x6;
	s18 =	sadd.s32 $0x138000, s2;
	p0 =	sne.s32 s17, $0xF  }
0xb: {  	s5 =	sshll.u32 s7, $0x4;
	_ =	strace $0x80000047;
	[dreg:$0x5] =	wrdreg s10  }
0xc: {  	s20 =	ssub.s32 $0x2, s7;
	s7 =	smul.u32 $0x138800, s7;
	s18 =	sshrl.u32 @!p0 s18, $0x3  }
0xd: {  	s8 =	sor.u32 s17, s5;
	s5 =	sadd.s32 $0xC00, s0;
	s13 =	sshrl.u32 s20, $0x1  }
0xe: {  	s21 =	sshrl.u32 s11, $0x2;
	s22 =	sshrl.u32 s14, $0x3;
	s17 =	simm.s32 $0x5  }
0xf: {  	s9 =	smul.u32 $0x4F0, s8;
	s15 =	ssub.s32 s20, s13;
	s16 =	sadd.s32 s21, s2  }
0x10: {  	s24 =	sadd.s32 s3, s22;
	s25 =	sadd.s32 s14, s7;
	s7 =	sshrl.u32 s7, $0x3  }
0x11: {  	s3 =	sadd.s32 $0x27000, s3;
	s11 =	smul.u32 $0x5000, s8;
	s20 =	simm.s32 $0x1C000  }
0x12: {  	s21 =	simm.s32 $0x13880;
	s22 =	simm.s32 $0x50;
	[dreg:$0x6] =	wrdreg s24  }
0x13: {  	[dreg:$0x7] =	wrdreg s3;
	s26 =	sshrl.u32 s25, $0x3;
	s7 =	sadd.s32 s12, s7  }
0x14: {  	s15 =	smax.u32 s15, $0x1;
	s16 =	sshrl.u32 s16, $0x3;
	s24 =	simm.s32 $0x13900  }
0x15: {  	s25 =	simm.s32 $0x19800;
	s0 =	sadd.s32 s9, s0;
	s9 =	sor.u32 $0x1C05, s23  }
0x16: {  	s3 =	sadd.s32 s12, s26;
	s13 =	sadd.s32 $0x27000, s7;
	s23 =	simm.s32 $0x17000  }
0x17: {  	v0 =	vimm.f32 $1.000000000e+00;
	s26 =	simm.s32 $0x1;
	[dreg:$0x8] =	wrdreg s3;
	s14 =	sadd.s32 $0x77400, s0  }
.LBB2_1:
0x18: {  	s0 =	rddreg [dreg:$0x6]  }
0x19: {  	[spmem:s16], [sflag:s9] =	dma.local [hbm:s0], $0x2700  }
0x1a: {  	_ =	swait.ge [sflag:s17], $0x2700  }
0x1b: {  	[sflag:s17] =	ssyncset.done $0x0  }
0x1c: {  	s0 =	rddreg [dreg:$0x7];
	[sflag:s17] =	ssyncadd.s32 $0xFFFFD900  }
0x1d: {  	[spmem:s18], [sflag:s9] =	dma.local @!p0 [hbm:s0], $0x100  }
0x1e: {  	s0 =	simm.s32 @!p0 $0x5  }
0x1f: {  	_ =	swait.ge @!p0 [sflag:s0], $0x100  }
0x20: {  	[sflag:s0] =	ssyncset.done @!p0 $0x0  }
0x21: {  	s12 =	rddreg [dreg:$0x5];
	[sflag:s0] =	ssyncadd.s32 @!p0 $0xFFFFFF00  }
0x22: {  	[tilespmem:s19], [sflag:$0x5] =	stream.linear.gather [hbm4b:s12+s4], $0x2780, $0x38;
	[tilespmem:$0x1D000] =	vst v63  }
0x23: {  	_ =	swait.ge [sflag:s17], $0x2780  }
0x24: {  	[sflag:s17] =	ssyncset.done $0x0  }
0x25: {  	[sflag:s17] =	ssyncadd.s32 $0xFFFFD880  }
0x26: {  	s0 =	simm.s32 $0x0;
	[bflag:$0x0] =	sbarrier.arrive $0xFFFF  }
.LBB2_2:
0x27: {  	s3 =	sshll.u32 s0, $0xC  }
0x28: {  	s3 =	sadd.s32 s11, s3  }
0x29: {  	s3 =	sshrl.u32 s3, $0x3  }
0x2a: {  	s7 =	sadd.s32 s5, s3  }
0x2b: {  	[tilespmem:s20], [sflag:$0x5] =	stream.linear.gather [hbm4b:s7+s4], $0xC80, $0x38;
	[tilespmem:$0x1D000] =	vst v63  }
0x2c: {  	_ =	swait.ge [sflag:s17], $0xC80  }
0x2d: {  	[sflag:s17] =	ssyncset.done $0x0  }
0x2e: {  	s3 =	sadd.s32 s6, s3;
	[sflag:s17] =	ssyncadd.s32 $0xFFFFF380  }
0x2f: {  	[tilespmem:s21], [sflag:$0x5] =	stream.linear.gather [hbm4b:s3+s4], $0xC80, $0x38;
	[tilespmem:$0x1D000] =	vst v63  }
0x30: {  	_ =	swait.ge [sflag:s17], $0xC80  }
0x31: {  	[sflag:s17] =	ssyncset.done $0x0  }
0x32: {  	[sflag:s17] =	ssyncadd.s32 $0xFFFFF380  }
0x33: {  	[tilespmem:s23], [sflag:$0x1] =	stream.indirect.gather [hbm4b:s1+s22], $0x80, s21, s22, $0xb8;
	[tilespmem:$0x1D000] =	vst v63  }
0x34: {  	v1 =	vld [tilespmem:$0x1C000];
	_ =	sdelay $0x7  }
0x35: {  	[tilespmem:v1+s19+$0x0] =	vst.idx.add.f32.msk $0xffff, v0  }
0x36: {  	v1 =	vld [tilespmem:$0x1C010];
	_ =	sdelay $0x7  }
0x37: {  	[tilespmem:v1+s19+$0x0] =	vst.idx.add.f32.msk $0xffff, v0  }
0x38: {  	v1 =	vld [tilespmem:$0x1C020];
	_ =	sdelay $0x7  }
0x39: {  	[tilespmem:v1+s19+$0x0] =	vst.idx.add.f32.msk $0xffff, v0  }
0x3a: {  	v1 =	vld [tilespmem:$0x1C030];
	_ =	sdelay $0x7  }
0x3b: {  	[tilespmem:v1+s19+$0x0] =	vst.idx.add.f32.msk $0xffff, v0  }
0x3c: {  	v1 =	vld [tilespmem:$0x1C040];
	_ =	sdelay $0x7  }
0x3d: {  	s3 =	simm.s32 $0x1;
	[tilespmem:v1+s19+$0x0] =	vst.idx.add.f32.msk $0xffff, v0  }
0x3e: {  	_ =	swait.ge [sflag:s3], $0x2800  }
0x3f: {  	[sflag:s3] =	ssyncset.done $0x0  }
0x40: {  	[sflag:s3] =	ssyncadd.s32 $0xFFFFD800  }
0x41: {  	[spmem:s2] =	stream.indirect.scatter.add.f32 [tilespmem:s23], [sflag:$0x3], $0x80, s20, s22, $0xb8;
	[tilespmem:$0x1D000] =	vst v63  }
0x42: {  	s8 =	simm.s32 $0x1C080;
	s7 =	simm.s32 $0x13980  }
0x43: {  	[tilespmem:s25], [sflag:$0x2] =	stream.indirect.gather [hbm4b:s1+s22], $0x80, s24, s22, $0xb8;
	[tilespmem:$0x1D000] =	vst v63  }
.LBB2_3:
0x44: {  	v1 =	vld [tilespmem:s8+$0x0];
	_ =	sdelay $0x7  }
0x45: {  	[tilespmem:v1+s19+$0x0] =	vst.idx.add.f32.msk $0xffff, v0  }
0x46: {  	v1 =	vld [tilespmem:s8+$0x10];
	_ =	sdelay $0x7  }
0x47: {  	[tilespmem:v1+s19+$0x0] =	vst.idx.add.f32.msk $0xffff, v0  }
0x48: {  	v1 =	vld [tilespmem:s8+$0x20];
	_ =	sdelay $0x7  }
0x49: {  	[tilespmem:v1+s19+$0x0] =	vst.idx.add.f32.msk $0xffff, v0  }
0x4a: {  	v1 =	vld [tilespmem:s8+$0x30];
	_ =	sdelay $0x7  }
0x4b: {  	[tilespmem:v1+s19+$0x0] =	vst.idx.add.f32.msk $0xffff, v0  }
0x4c: {  	v1 =	vld [tilespmem:s8+$0x40];
	_ =	sdelay $0x5  }
0x4d: {  	s10 =	sand.u32 $0x1, s3  }
0x4e: {  	p1 =	seq.s32 s10, $0x1  }
0x4f: {  	s10 =	simm.s32 @p1 $0x2;
	[tilespmem:v1+s19+$0x0] =	vst.idx.add.f32.msk $0xffff, v0  }
0x50: {  	_ =	swait.ge @p1 [sflag:s10], $0x2800  }
0x51: {  	[sflag:s10] =	ssyncset.done @p1 $0x0  }
0x52: {  	s12 =	simm.s32 @p1 $0x19800;
	[sflag:s10] =	ssyncadd.s32 @p1 $0xFFFFD800;
	s10 =	simm.s32 @p1 $0x50  }
0x53: {  	[spmem:s2] =	stream.indirect.scatter.add.f32 @p1 [tilespmem:s12], [sflag:$0x4], $0x80, s8, s10, $0xb8;
	[tilespmem:$0x1D000] =	vst v63  }
0x54: {  	s12 =	simm.s32 @p1 $0x3  }
0x55: {  	_ =	swait.ge @p1 [sflag:s12], $0x2800  }
0x56: {  	[sflag:s12] =	ssyncset.done @p1 $0x0  }
0x57: {  	[sflag:s12] =	ssyncadd.s32 @p1 $0xFFFFD800;
	s12 =	simm.s32 @p1 $0x17000  }
0x58: {  	[tilespmem:s12], [sflag:$0x1] =	stream.indirect.gather @p1 [hbm4b:s1+s10], $0x80, s7, s10, $0xb8;
	[tilespmem:$0x1D000] =	vst v63  }
0x59: {  	s10 =	simm.s32 @!p1 $0x1  }
0x5a: {  	_ =	swait.ge @!p1 [sflag:s10], $0x2800  }
0x5b: {  	[sflag:s10] =	ssyncset.done @!p1 $0x0  }
0x5c: {  	s12 =	simm.s32 @!p1 $0x17000;
	[sflag:s10] =	ssyncadd.s32 @!p1 $0xFFFFD800;
	s10 =	simm.s32 @!p1 $0x50  }
0x5d: {  	[spmem:s2] =	stream.indirect.scatter.add.f32 @!p1 [tilespmem:s12], [sflag:$0x3], $0x80, s8, s10, $0xb8;
	[tilespmem:$0x1D000] =	vst v63  }
0x5e: {  	s12 =	simm.s32 @!p1 $0x4  }
0x5f: {  	_ =	swait.ge @!p1 [sflag:s12], $0x2800  }
0x60: {  	[sflag:s12] =	ssyncset.done @!p1 $0x0  }
0x61: {  	s3 =	sadd.s32 $0x1, s3;
	[sflag:s12] =	ssyncadd.s32 @!p1 $0xFFFFD800;
	s12 =	simm.s32 @!p1 $0x19800  }
0x62: {  	[tilespmem:s12], [sflag:$0x2] =	stream.indirect.gather @!p1 [hbm4b:s1+s10], $0x80, s7, s10, $0xb8;
	[tilespmem:$0x1D000] =	vst v63  }
0x63: {  	p1 =	sne.s32 s3, $0x18  }
.Ltmp0:
0x64: {  	_ = 	snop;
	(pc) =	sbr.rel @p1 .LBB2_3-.Ltmp0, $2  }
0x65: {  	_ =	sdelay $0x2  }
0x66: {  	s8 =	sadd.s32 $0x80, s8;
	s7 =	sadd.s32 $0x80, s7  }
0x67: {  	v1 =	vld [tilespmem:$0x1CC00];
	_ =	sdelay $0x7  }
0x68: {  	[tilespmem:v1+s19+$0x0] =	vst.idx.add.f32.msk $0xffff, v0  }
0x69: {  	v1 =	vld [tilespmem:$0x1CC10];
	_ =	sdelay $0x7  }
0x6a: {  	[tilespmem:v1+s19+$0x0] =	vst.idx.add.f32.msk $0xffff, v0  }
0x6b: {  	v1 =	vld [tilespmem:$0x1CC20];
	_ =	sdelay $0x7  }
0x6c: {  	[tilespmem:v1+s19+$0x0] =	vst.idx.add.f32.msk $0xffff, v0  }
0x6d: {  	v1 =	vld [tilespmem:$0x1CC30];
	_ =	sdelay $0x7  }
0x6e: {  	[tilespmem:v1+s19+$0x0] =	vst.idx.add.f32.msk $0xffff, v0  }
0x6f: {  	v1 =	vld [tilespmem:$0x1CC40];
	_ =	sdelay $0x7  }
0x70: {  	[tilespmem:v1+s19+$0x0] =	vst.idx.add.f32.msk $0xffff, v0  }
0x71: {  	_ =	swait.ge [sflag:s26], $0x2800  }
0x72: {  	[sflag:s26] =	ssyncset.done $0x0  }
0x73: {  	s0 =	sadd.s32 $0x1, s0;
	[sflag:s26] =	ssyncadd.s32 $0xFFFFD800  }
0x74: {  	[spmem:s2] =	stream.indirect.scatter.add.f32 [tilespmem:s23], [sflag:$0x3], $0x80, s28, s22, $0xb8;
	[tilespmem:$0x1D000] =	vst v63  }
0x75: {  	p1 =	sne.s32 s0, $0x5;
	_ =	swait.ge [sflag:s29], $0x2800  }
.Ltmp1:
0x76: {  	[sflag:s29] =	ssyncset.done $0x0;
	(pc) =	sbr.rel @p1 .LBB2_2-.Ltmp1, $4  }
0x77: {  	[sflag:s29] =	ssyncadd.s32 $0xFFFFD800  }
0x78: {  	_ =	swait.ge [sflag:s30], $0x2800  }
0x79: {  	[sflag:s30] =	ssyncset.done $0x0  }
0x7a: {  	[sflag:s30] =	ssyncadd.s32 $0xFFFFD800  }
0x7b: {  	[bflag:$0x0] =	sbarrier.arrive $0xFFFF  }
0x7c: {  	s0 =	rddreg [dreg:$0x8]  }
0x7d: {  	[hbm:s0], [sflag:s9] =	dma.local [spmem:s16], $0x2700  }
0x7e: {  	_ =	swait.ge [sflag:s17], $0x2700  }
0x7f: {  	[sflag:s17] =	ssyncset.done $0x0  }
0x80: {  	s0 =	simm.s32 @!p0 $0x5;
	[sflag:s17] =	ssyncadd.s32 $0xFFFFD900  }
0x81: {  	[hbm:s13], [sflag:s9] =	dma.local @!p0 [spmem:s18], $0x100  }
0x82: {  	s31 =	sadd.s32 $0x1, s31;
	_ =	swait.ge @!p0 [sflag:s0], $0x100  }
0x83: {  	p1 =	sne.s32 s31, s15;
	[sflag:s0] =	ssyncset.done @!p0 $0x0  }
.Ltmp2:
0x84: {  	[sflag:s0] =	ssyncadd.s32 @!p0 $0xFFFFFF00;
	(pc) =	sbr.rel @p1 .LBB2_1-.Ltmp2, $4  }
0x85: {  	[hbm4b:s14+s4] =	stream.linear.scatter [tilespmem:s19], [sflag:$0x5], $0x2780, $0x38;
	[tilespmem:$0x1D000] =	vst v63  }
0x86: {  	_ =	swait.ge [sflag:s17], $0x2780  }
0x87: {  	[sflag:s17] =	ssyncset.done $0x0  }
0x88: {  	[sflag:s17] =	ssyncadd.s32 $0xFFFFD880  }
0x89: {  	_ =	sfence.sel $0x180000  }
0x8a: {  	[bflag:$0x0] =	sbarrier.arrive $0xFFFF  }
0x8b: {  	_ =	strace $0x90000047  }
0x8c: {  	s0 =	stileid.u32;
	[bflag:$0x2] =	sbarrier.arrive $0xFFFF  }
0x8d: {  	p0 =	sne.s32 s0, $0x0;
	s0 =	rddreg [dreg:$0x4]  }
0x8e: {  	s0 =	sadd.s32 @!p0 $0x100000, s0  }
0x8f: {  	[sflag:s0] =	ssyncadd.tile.s32 @!p0 $0x1;
	_ =	shalt  }
.Lfunc_end2:
_tile_overlayer_lowered:
.L_overlay_start_2:
0x90: {  	(tag) =	ssettag $0x2  }
0x91: {  	s0 =	rddreg [dreg:$0x0];
	s2 =	stileid.u32  }
0x92: {  	s1 =	rddreg [dreg:$0x1];
	p0 =	sne.s32 s2, $0x0  }
0x93: {  	s3 =	rddreg [dreg:$0x2];
	[bflag:$0x3] =	sbarrier.arrive $0xFFFF;
	s2 =	simm.s32 @!p0 $0x1C05  }
0x94: {  	[timem:s3], [sflag:s2] =	dma.local @!p0 [hbm:s0], s1  }
0x95: {  	s0 =	simm.s32 @!p0 $0x5  }
0x96: {  	_ =	swait.ge @!p0 [sflag:s0], s1  }
0x97: {  	s1 =	ssub.s32 @!p0 $0x0, s1;
	[sflag:s0] =	ssyncset.done @!p0 $0x0  }
0x98: {  	[sflag:s0] =	ssyncadd.s32 @!p0 s1  }
0x99: {  	[bflag:$0x3] =	sbarrier.arrive $0xFFFF  }
0x9a: {  	_ =	shalt  }

</sc_bundles>
